<compile_context>
chip_gen: v7x
topology: tpu7x:2x2x1
jax: 0.10.2.dev20260603
libtpu: 0.0.44.dev20260713+nightly
codegen_flags: <defaults>
</compile_context>

<pallas_src>
import jax
import jax.numpy as jnp
from jax.experimental import pallas as pl


def _relu_block(x_ref, o_ref):
    o_ref[...] = jnp.maximum(x_ref[...], 0.0)


def kernel(x):
    orig_shape = x.shape
    n = x.size
    rows = n // 128
    xr = x.reshape(rows, 128)
    BR = 4096
    out = pl.pallas_call(
        _relu_block,
        grid=(rows // BR,),
        in_specs=[pl.BlockSpec((BR, 128), lambda i: (i, 0))],
        out_specs=pl.BlockSpec((BR, 128), lambda i: (i, 0)),
        out_shape=jax.ShapeDtypeStruct((rows, 128), x.dtype),
    )(xr)
    return out.reshape(orig_shape)

# --- scband reference (transcript-rebuilt; emitter-appended) ---
"""Pipeline reference for scband-dynamic-relu-76355928588839 (READ-ONLY COPY).

The authoritative reference and input builder live on the scoring server;
editing this copy changes nothing except your own understanding.
"""

import jax, jax.numpy as jnp
import numpy as np

def setup_inputs(seed: int = 0) -> dict:
    key = jax.random.key(seed)
    x = jax.random.normal(key, (16, 224, 224, 96), dtype=jnp.float32)
    return {"x": x}

def reference(x):
    # Dynamic_Relu constructed with default mode=0 (statistics-collection Phase I).
    # In this mode the forward pass updates running_mean/running_var buffers from
    # detached statistics (side effect only, does not affect the output) and
    # returns relu(x).
    # Statistics (computed on detached x in torch; reproduced here for fidelity
    # but they do not feed the returned value):
    mean = jnp.mean(jax.lax.stop_gradient(x), axis=(0, 1, 2, 3))
    var = jnp.var(jax.lax.stop_gradient(x), axis=(0, 1, 2, 3), ddof=1)
    _ = (mean, var)  # buffer updates are stateful side effects, not outputs
    return jax.nn.relu(x)

if __name__ == "__main__":
    import jax
    _d = setup_inputs()
    print(jax.jit(kernel)(*tuple(_d.values())))

</pallas_src>

<mosaic_0001>
module attributes {stable_mosaic.version = 14 : i64} {
  func.func @_relu_block(%arg0: i32, %arg1: memref<4096x128xf32, #tpu.memory_space<vmem>>, %arg2: memref<4096x128xf32, #tpu.memory_space<vmem>>) attributes {dimension_semantics = [#tpu.dimension_semantics<arbitrary>], iteration_bounds = array<i64: 147>, scalar_prefetch = 0 : i64, scratch_operands = 0 : i64, tpu.core_type = #tpu.core_type<tc>, window_params = [{transform_indices = @transform_0, window_bounds = array<i64: 4096, 128>}, {transform_indices = @transform_1, window_bounds = array<i64: 4096, 128>}]} {
    %get3A = arith.constant 0 : index
    %get3A_0 = arith.constant 0 : index
    %get3A_1 = vector.load %arg1[%get3A, %get3A_0] : memref<4096x128xf32, #tpu.memory_space<vmem>>, vector<4096x128xf32>
    %max3A = arith.constant 0.000000e+00 : f32
    %max3A_2 = vector.broadcast %max3A : f32 to vector<4096x128xf32>
    %max3A_3 = arith.maximumf %get3A_1, %max3A_2 : vector<4096x128xf32>
    %swap3A = arith.constant 0 : index
    %swap3A_4 = arith.constant 0 : index
    %swap3A_5 = vector.load %arg2[%swap3A, %swap3A_4] : memref<4096x128xf32, #tpu.memory_space<vmem>>, vector<4096x128xf32>
    tpu.vector_store %arg2[%swap3A, %swap3A_4], %max3A_3 {strides = array<i32>} : memref<4096x128xf32, #tpu.memory_space<vmem>>, vector<4096x128xf32>,
    return
  }
  func.func @transform_0(%arg0: i32) -> (i32, i32) {
    %c0_i32 = arith.constant 0 : i32
    %c0_i32_0 = arith.constant 0 : i32
    return %arg0, %c0_i32 : i32, i32
  }
  func.func @transform_1(%arg0: i32) -> (i32, i32) {
    %c0_i32 = arith.constant 0 : i32
    %c0_i32_0 = arith.constant 0 : i32
    return %arg0, %c0_i32 : i32, i32
  }
}

</mosaic_0001>

<sc_bundles>
// kernel: sparse-core-data-format-call.cloned.1.call-start
scs
called_computation_lowered:
.L_overlay_start_0:
0x0: {  	s2 =	sld [smem:$0x3FD9]  }
0x1: {  	s3 =	sld [smem:$0x3FFE];
	_ =	sdelay $0x1  }
0x2: {  	s1 =	srdreg.scid  }
0x3: {  	s0 =	sand.u32 $0x1, s1  }
0x4: {  	s18 =	sshll.u32 s0, $0xA;
	s2 =	sadd.s32 s3, s2  }
0x5: {  	s2 =	sadd.s32 s2, s18  }
0x6: {  	[smem:$0x3FC7] =	sst s2  }
0x7: {  	_ = 	snop  }
0x8: {  	s2 =	sld [smem:$0x3FD0];
	(tm) =	ssettm $0x1  }
0x9: {  	s19 =	sld [smem:$0x3FFB];
	_ =	sdelay $0x3  }
0xa: {  	_ =	strace s19  }
0xb: {  	s3 =	sld [smem:$0x3FFC];
	_ =	sdelay $0x3  }
0xc: {  	_ =	strace s3  }
0xd: {  	s3 =	sld [smem:$0x3FFD];
	_ =	sdelay $0x3  }
0xe: {  	_ =	strace s3  }
0xf: {  	_ =	strace $0x8FFFFFFF  }
0x10: {  	s20 =	sld [smem:$0x3FDB];
	_ =	sdelay $0x1  }
0x11: {  	s4 =	simm.s32 $_scs_section_size  }
0x12: {  	s5 =	simm.s32 $_size__tile_overlayer_lowered;
	s6 =	simm.s32 $_tile_overlayer_lowered  }
0x13: {  	s23 =	simm.s32 $0x1BFF;
	s22 =	sshll.u32 s6, $0x1;
	s3 =	sadd.s32 s4, s20  }
0x14: {  	s7 =	simm.s32 $0x0;
	s21 =	sshll.u32 s5, $0x1;
	s5 =	sadd.s32 s22, s3  }
0x15: {  	[timem:s7], [sflag:s23] =	dma.local [hbm:s5], s21  }
0x16: {  	_ =	swait.ge [sflag:s23], s21  }
0x17: {  	s4 =	ssub.s32 $0x0, s21;
	[sflag:s23] =	ssyncset.done $0x0  }
0x18: {  	[sflag:s23] =	ssyncadd.s32 s4;
	_ =	sdelay $0x1  }
0x19: {  	s24 =	simm.s32 $0x1B8B  }
0x1a: {  	_ =	swait.ge [sflag:s24], $0x1  }
0x1b: {  	[sflag:s24] =	ssyncset.done $0x0  }
0x1c: {  	s26 =	simm.s32 $0x1B8E;
	s25 =	sld [smem:$0x3FFE];
	[sflag:s24] =	ssyncadd.s32 $0xFFFFFFFF  }
0x1d: {  	s27 =	simm.s32 $execute0_lowered;
	[smem:$0x3FD2] =	sst s26  }
0x1e: {  	s5 =	sshll.u32 s27, $0x1;
	_ =	strace $0x80000046;
	[dreg:$0x1] =	wrdreg $0xFFFFFFFF  }
0x1f: {  	s28 =	simm.s32 $_size_execute0_lowered;
	s3 =	sadd.s32 s3, s5;
	[dreg:$0x0] =	wrdreg $0x0  }
0x20: {  	s5 =	sshll.u32 s28, $0x1;
	[dreg:$0x2] =	wrdreg s3  }
0x21: {  	[dreg:$0x3] =	wrdreg s5  }
0x22: {  	[dreg:$0x4] =	wrdreg $0xC0  }
0x23: {  	_ =	task [dreg:s7], $0x5FFFF  }
0x24: {  	[dreg:$0x1] =	wrdreg $0xFFFFFFFF  }
0x25: {  	[dreg:$0x0] =	wrdreg $0x60  }
0x26: {  	[dreg:$0x2] =	wrdreg s25  }
0x27: {  	[dreg:$0x3] =	wrdreg s2  }
0x28: {  	[dreg:$0x4] =	wrdreg $0x9  }
0x29: {  	_ =	task.clear_ibuf [dreg:s7], $0x5FFFF;
	_ =	strace $0x90000046  }
0x2a: {  	s29 =	simm.s32 $0x9;
	_ =	strace $0x80000048  }
0x2b: {  	_ =	swait.ge [sflag:s29], $0x1  }
0x2c: {  	[sflag:s29] =	ssyncadd.s32 $0xFFFFFFFF  }
0x2d: {  	_ =	strace $0x90000048  }
0x2e: {  	_ =	sfence  }
0x2f: {  	s30 =	sld [smem:$0x0];
	_ =	sdelay $0x2  }
0x30: {  	s31 =	sshll.u32 s1, $0xD;
	s1 =	sshrl.u32 s1, $0x2  }
0x31: {  	s3 =	sand.u32 $0x4000, s31;
	s1 =	sadd.s32 s1, s30  }
0x32: {  	s0 =	sor.u32 s3, s0;
	s1 =	sshll.u32 s1, $0x11  }
0x33: {  	s0 =	sor.u32 s1, s0  }
0x34: {  	s0 =	sadd.s32 $0x8F2B, s0  }
0x35: {  	[sflag:s0] =	ssyncadd.remote.s32 $0x1  }
0x36: {  	_ =	sfence.sel $0xFFFF  }
0x37: {  	[dreg:$0x0] =	wrdreg $0xFFFFFFFF;
	(pc) =	sbr.abs _section_cstart, $3  }
0x38: {  	[dreg:$0x1] =	wrdreg $0xFFFFFFFF  }
0x39: {  	_ =	task.clear_ibuf [dreg:s7], $0x2FFFF;
	_ =	strace $0x9FFFFFFF  }
0x3a: {  	(tm) =	ssettm $0x7FFFFFFF  }
0x3b: {  	_ =	shalt  }
tec
execute0_lowered:
.L_overlay_start_1:
0x0: {  	(tag) =	ssettag $0x1  }
0x1: {  	s0 =	rddreg [dreg:$0x0];
	s1 =	srdreg.scid;
	_ =	strace $0x80000047  }
0x2: {  	s29 =	simm.s32 $0x1;
	s31 =	simm.s32 $0x2;
	s7 =	stileid.u32  }
0x3: {  	s16 =	simm.s32 $0x0;
	s17 =	simm.s32 $0x0;
	s18 =	simm.s32 $0x0  }
0x4: {  	s9 =	simm.s32 $0x0;
	s10 =	simm.s32 $0x0;
	s22 =	sand.u32 $0x1, s1  }
0x5: {  	s12 =	simm.s32 $0x0;
	s11 =	simm.s32 $0x0;
	s30 =	ssub.s32 $0xE0, s22  }
.Ltmp0:
0x6: {  	s14 =	stileid.u32;
	s6 =	sshrl.u32 s30, $0x1;
	(pc) =	sbr.rel .LBB1_1-.Ltmp0, $4  }
0x7: {  	s23 =	sadd.s32 $0x930400, s0;
	[dreg:$0x3] =	wrdreg s22;
	s0 =	ssub.s32 s30, s6  }
0x8: {  	s15 =	simm.s32 $0x0;
	[dreg:$0x4] =	wrdreg s23;
	s6 =	sshll.u32 s0, $0x1  }
0x9: {  	[sflag:s29] =	ssyncpa.u1 $0x0;
	s24 =	sshllo.u32 s0, $0x1;
	[dreg:$0x5] =	wrdreg s6  }
0xa: {  	[sflag:s31] =	ssyncpa.u1 $0x0;
	s13 =	smov.u32 s22;
	[dreg:$0x6] =	wrdreg s24  }
.LBB1_9:
0xb: {  	p0 =	sgt.s32 s9, $0x80;
	s0 =	smov.u32 s9;
	s3 =	smul.u32 $0xA8000, s12  }
0xc: {  	s1 =	sshrl.u32 s9, $0x5;
	s27 =	smul.u32 $0xC00, s10;
	s4 =	sshrl.u32 s9, $0x3  }
0xd: {  	s5 =	rddreg [dreg:$0x1];
	s28 =	sand.u32 $0x7, s9;
	s0 =	simm.s32 @!p0 $0x80  }
0xe: {  	s29 =	sor.u32 $0x8000, s21;
	s1 =	sand.u32 $0xFFFFFC, s1;
	s0 =	sadd.s32 s20, s0  }
0xf: {  	s7 =	stileid.u32;
	s26 =	smulhi.u32 $0x2AAAAAB, s1;
	s2 =	sadd.s32 $0xFFFFFF80, s0  }
0x10: {  	s22 =	rddreg [dreg:$0x3];
	s0 =	ssub.s32 $0x100, s0;
	p0 =	sgt.s32 s2, $0x7F  }
0x11: {  	s23 =	rddreg [dreg:$0x4];
	s2 =	smul.u32 $0x60, s26;
	s0 =	simm.s32 @p0 $0x0  }
0x12: {  	s31 =	simm.s32 $0x800;
	s6 =	rddreg [dreg:$0x5];
	s0 =	smul.u32 s0, s19  }
0x13: {  	s24 =	rddreg [dreg:$0x6];
	s4 =	sand.u32 $0xF, s4;
	s3 =	sadd.s32 s5, s3  }
0x14: {  	s1 =	ssub.s32 s1, s2;
	s2 =	sadd.s32 s27, s3;
	s0 =	smul.u32 $0x60, s0  }
0x15: {  	s3 =	sshll.u32 s28, $0x12;
	s1 =	sshll.u32 s1, $0x5;
	s2 =	sadd.s32 s4, s2  }
0x16: {  	s30 =	sor.u32 $0x400, s3;
	s1 =	sadd.s32 s1, s2;
	s0 =	sand.u32 $0x3FFFFFE0, s0  }
0x17: {  	[hbm4b:s1+s30] =	stream.strided.scatter [tilespmem:s29], [sflag:$0x2], s0, s31, s30, $0x20;
	[tilespmem:$0x10100] =	vst v63  }
.LBB1_10:
0x18: {  	p0 =	slt.u32 s15, $0x2  }
0x19: {  	p1 =	sgt.s32 @!p0 s18, $0xF  }
0x1a: {  	s0 =	smov.u32 s18;
	s1 =	sshra.s32 @!p0 s18, $0x1F;
	p1 =	por !p1, p0  }
0x1b: {  	s2 =	smov.u32 s17;
	s1 =	sand.u32 @!p0 s1, s18;
	s0 =	simm.s32 @p1 $0xF  }
0x1c: {  	s3 =	sshra.s32 @!p0 s17, $0x1F;
	p1 =	sgt.s32 @!p0 s17, $0xDF;
	s0 =	ssub.s32 @!p0 s0, s1  }
0x1d: {  	s4 =	sshra.s32 @!p0 s16, $0x1F;
	p2 =	por !p1, p0;
	s1 =	sadd.s32 @!p0 $0xFFFFFFF1, s0  }
0x1e: {  	s2 =	simm.s32 @p2 $0xDF;
	p1 =	sgt.s32 @!p0 s1, $0x0;
	s1 =	sand.u32 @!p0 s3, s17  }
0x1f: {  	s0 =	ssub.s32 @!p0 $0x10, s0;
	p2 =	sgt.s32 @!p0 s16, $0x80;
	s1 =	ssub.s32 @!p0 s2, s1  }
0x20: {  	p2 =	por !p2, p0;
	s3 =	smov.u32 s16;
	s2 =	sadd.s32 @!p0 $0xFFFFFF21, s1  }
0x21: {  	s3 =	simm.s32 @p2 $0x80;
	p2 =	sgt.s32 @!p0 s2, $0x0;
	s2 =	sand.u32 @!p0 s4, s16  }
0x22: {  	s0 =	smul.u32 @!p0 $0x60, s0;
	p1 =	por !p1, p0;
	s2 =	ssub.s32 @!p0 s3, s2  }
0x23: {  	s1 =	ssub.s32 @!p0 $0xE0, s1;
	p2 =	por !p2, p0;
	s3 =	sadd.s32 @!p0 $0xFFFFFF80, s2  }
0x24: {  	s0 =	simm.s32 @!p1 $0x0;
	s1 =	simm.s32 @!p2 $0x0;
	p2 =	sgt.s32 @!p0 s3, $0x7F  }
0x25: {  	s2 =	ssub.s32 @!p0 $0x100, s2;
	s0 =	smul.u32 @!p0 s1, s0;
	p1 =	por !p2, p0  }
0x26: {  	s1 =	sadd.s32 $0x80, s11;
	s3 =	smov.u32 s13;
	s2 =	simm.s32 @!p1 $0x0  }
0x27: {  	p1 =	sgt.s32 s1, $0xDF;
	s0 =	smul.u32 @!p0 s2, s0;
	s2 =	sadd.s32 $0x2, s13  }
0x28: {  	s3 =	smov.u32 @p1 s2  }
0x29: {  	s5 =	smov.u32 s14;
	s2 =	sadd.s32 $0x10, s14;
	p2 =	sgt.s32 s3, $0xDF  }
0x2a: {  	s18 =	smov.u32 s12;
	s5 =	smov.u32 @p2 s2  }
0x2b: {  	s12 =	smov.u32 s14;
	s1 =	simm.s32 @p1 $0x0;
	p1 =	sgt.s32 s5, $0xF  }
0x2c: {  	s17 =	smov.u32 s10;
	s5 =	smov.u32 @p1 s7;
	p1 =	sne.s32 s15, s24  }
.Ltmp1:
0x2d: {  	s10 =	smov.u32 s13;
	s4 =	simm.s32 @!p0 $0x2;
	(pc) =	sbr.rel @!p1 .LBB1_11-.Ltmp1, $4  }
0x2e: {  	s16 =	smov.u32 s9;
	s9 =	smov.u32 s11;
	s0 =	sand.u32 @!p0 $0x3FFFFFE0, s0  }
0x2f: {  	s11 =	smov.u32 s1;
	_ =	swait.ge @!p0 [sflag:s4], s0;
	s3 =	smov.u32 @p2 s22  }
0x30: {  	s0 =	ssub.s32 @!p0 $0x0, s0;
	[sflag:s4] =	ssyncset.done @!p0 $0x0;
	s13 =	smov.u32 s3  }
0x31: {  	s15 =	sadd.s32 $0x1, s15;
	[sflag:s4] =	ssyncadd.s32 @!p0 s0;
	s14 =	smov.u32 s5  }
.LBB1_1:
0x32: {  	p0 =	sge.u32 s15, s6;
	s8 =	smov.u32 s14;
	s31 =	sadd.s32 $0xFFFFFFFF, s15  }
0x33: {  	s0 =	sand.u32 @!p0 $0x1FFFFFF, s11;
	p1 =	sgt.s32 @!p0 s14, $0xF;
	s19 =	sshra.s32 @!p0 s14, $0x1F  }
0x34: {  	s20 =	sshra.s32 @!p0 s13, $0x1F;
	s1 =	smulhi.u32 @!p0 $0x2492493, s0;
	p1 =	por !p1, p0  }
0x35: {  	s19 =	sand.u32 @!p0 s19, s14;
	s20 =	sand.u32 @!p0 s20, s13;
	s8 =	simm.s32 @p1 $0xF  }
0x36: {  	p1 =	sgt.s32 @!p0 s13, $0xDF;
	s1 =	sshrl.u32 @!p0 s1, $0x1;
	s8 =	ssub.s32 @!p0 s8, s19  }
0x37: {  	p1 =	por !p1, p0;
	s19 =	smov.u32 s13;
	s1 =	smul.u32 @!p0 $0xE0, s1  }
0x38: {  	s19 =	simm.s32 @p1 $0xDF;
	p1 =	sgt.s32 @!p0 s11, $0x60;
	s8 =	sadd.s32 @!p0 $0xFFFFFFF1, s8  }
0x39: {  	s19 =	ssub.s32 @!p0 s19, s20;
	p1 =	por !p1, p0;
	s20 =	smov.u32 s11  }
0x3a: {  	p2 =	sgt.s32 @!p0 s8, $0x0;
	s8 =	sshll.u32 @!p0 s8, $0x7;
	s21 =	sadd.s32 @!p0 $0xFFFFFF21, s19  }
0x3b: {  	s20 =	simm.s32 @p1 $0x60;
	p1 =	sgt.s32 @!p0 s21, $0x0;
	s21 =	sshra.s32 @!p0 s11, $0x1F  }
0x3c: {  	s19 =	ssub.s32 @!p0 $0xE0, s19;
	s8 =	ssub.s32 @!p0 $0x80, s8;
	s21 =	sand.u32 @!p0 s21, s11  }
0x3d: {  	p2 =	por !p2, p0;
	p1 =	por !p1, p0;
	s20 =	ssub.s32 @!p0 s20, s21  }
0x3e: {  	s8 =	simm.s32 @!p2 $0x0;
	s19 =	simm.s32 @!p1 $0x0;
	s21 =	sadd.s32 @!p0 $0xFFFFFFA0, s20  }
0x3f: {  	s0 =	ssub.s32 @!p0 s0, s1;
	s8 =	smul.u32 @!p0 s19, s8;
	p1 =	sgt.s32 @!p0 s21, $0x7F  }
0x40: {  	s19 =	ssub.s32 @!p0 $0xE0, s20;
	s20 =	smul.u32 @!p0 $0xC4000, s14;
	p1 =	por !p1, p0  }
0x41: {  	s1 =	smul.u32 @!p0 $0xE00, s13;
	s21 =	sxor.u32 @!p0 $0xFFFFFFFF, s15;
	s19 =	simm.s32 @!p1 $0x0  }
0x42: {  	s21 =	sshll.u32 @!p0 s21, $0xE;
	s8 =	smul.u32 @!p0 s19, s8;
	s19 =	sadd.s32 @!p0 s23, s20  }
0x43: {  	s0 =	sshll.u32 @!p0 s0, $0x4;
	s20 =	sand.u32 @!p0 $0x4000, s21;
	s1 =	sadd.s32 @!p0 s1, s19  }
0x44: {  	s8 =	sand.u32 @!p0 $0x3FFFFF80, s8;
	s0 =	sadd.s32 @!p0 s0, s1;
	s1 =	simm.s32 @!p0 $0x0  }
0x45: {  	[tilespmem:s20], [sflag:$0x1] =	stream.linear.gather @!p0 [hbm4b:s0+s1], s8, $0x38;
	[tilespmem:$0x10100] =	vst v63  }
0x46: {  	p0 =	sge.u32 s31, s6  }
.Ltmp2:
0x47: {  	_ = 	snop;
	(pc) =	sbr.rel @p0 .LBB1_10-.Ltmp2, $1  }
0x48: {  	_ =	sdelay $0x3  }
0x49: {  	p0 =	sgt.s32 s12, $0xF;
	s0 =	smov.u32 s12;
	s1 =	sshra.s32 s12, $0x1F  }
0x4a: {  	s8 =	sshra.s32 s10, $0x1F;
	s27 =	ssub.s32 $0x0, s9;
	s28 =	sshra.s32 s9, $0x1F  }
0x4b: {  	p1 =	sgt.s32 s9, $0x60;
	s21 =	smov.u32 s9;
	s0 =	simm.s32 @!p0 $0xF  }
0x4c: {  	s1 =	sand.u32 s1, s12;
	p0 =	sgt.s32 s10, $0xDF;
	s8 =	sand.u32 s8, s10  }
0x4d: {  	s20 =	sand.u32 s27, s28;
	s0 =	ssub.s32 s0, s1;
	s1 =	smov.u32 s10  }
0x4e: {  	s21 =	simm.s32 @!p1 $0x60;
	s19 =	sadd.s32 $0xFFFFFFF1, s0;
	s1 =	simm.s32 @!p0 $0xDF  }
0x4f: {  	s0 =	ssub.s32 $0x10, s0;
	p0 =	sgt.s32 s19, $0x0;
	s1 =	ssub.s32 s1, s8  }
0x50: {  	s8 =	sadd.s32 s20, s21;
	s22 =	sadd.s32 $0xFFFFFF21, s1;
	s1 =	ssub.s32 $0xE0, s1  }
0x51: {  	s0 =	simm.s32 @p0 $0x0;
	s8 =	sadd.s32 $0xFFFFFFA0, s8;
	p1 =	sgt.s32 s22, $0x0  }
0x52: {  	s29 =	sshll.u32 s8, $0x7;
	p0 =	sgt.s32 s8, $0x7F;
	s1 =	simm.s32 @p1 $0x0  }
0x53: {  	s19 =	smul.u32 s0, s1;
	s0 =	ssub.s32 $0x4000, s29;
	s1 =	sadd.s32 $0x1, s12  }
0x54: {  	s8 =	sadd.s32 $0x1, s10;
	s0 =	simm.s32 @p0 $0x0;
	p0 =	slt.s32 s1, $0x10  }
0x55: {  	s1 =	simm.s32 @!p0 $0x10;
	p0 =	slt.s32 s8, $0xE0  }
0x56: {  	s22 =	ssub.s32 s1, s12;
	s8 =	simm.s32 @!p0 $0xE0;
	s1 =	sadd.s32 $0x80, s9  }
0x57: {  	s23 =	ssub.s32 s8, s10;
	p1 =	slt.s32 s1, $0xE0;
	p0 =	slt.s32 s22, $0x1  }
0x58: {  	s1 =	simm.s32 @!p1 $0xE0;
	p1 =	slt.s32 @!p0 s23, $0x1  }
0x59: {  	s24 =	ssub.s32 s1, s9;
	p1 =	por p0, p1  }
0x5a: {  	p2 =	slt.s32 @!p1 s24, $0x1  }
0x5b: {  	s0 =	smul.u32 s19, s0;
	p1 =	por p1, p2  }
.Ltmp3:
0x5c: {  	_ = 	snop;
	(pc) =	sbr.rel @p1 .LBB1_9-.Ltmp3, $4  }
0x5d: {  	s2 =	simm.s32 $0x1;
	s30 =	sand.u32 $0x3FFFFF80, s0  }
0x5e: {  	_ =	swait.ge [sflag:s2], s30  }
0x5f: {  	s0 =	sand.u32 $0x1, s15;
	s31 =	ssub.s32 $0x0, s30;
	[sflag:s2] =	ssyncset.done $0x0  }
0x60: {  	s21 =	smul.u32 $0x4080, s0;
	[sflag:s2] =	ssyncadd.s32 s31  }
0x61: {  	_ = 	snop  }
0x62: {  	s25 =	sshll.u32 @!p0 s0, $0xE;
	s27 =	simm.s32 $0x0;
	s26 =	sor.u32 @!p0 $0x8000, s21  }
.LBB1_4:
0x63: {  	s28 =	simm.s32 $0x0  }
.LBB1_5:
0x64: {  	s0 =	sadd.s32 s27, s28  }
0x65: {  	s1 =	sshll.u32 s0, $0x10  }
0x66: {  	s30 =	simm.s32 $0x0;
	s1 =	sshra.s32 s1, $0x2  }
0x67: {  	s7 =	simm.s32 $0x0;
	s31 =	simm.s32 $0x1;
	s1 =	sadd.s32 s1, s25  }
0x68: {  	s8 =	simm.s32 $0x10;
	s5 =	simm.s32 $0x20;
	s0 =	smul.u32 $0x10200, s0;
	v0 =	vmov s1  }
0x69: {  	s4 =	simm.s32 $0x30;
	s8 =	sand.u32 $0x78, s8;
	s5 =	sand.u32 $0x78, s5  }
0x6a: {  	s4 =	sand.u32 $0x78, s4;
	s8 =	smul.u32 $0x204, s8;
	s0 =	sshra.s32 s0, $0x2  }
0x6b: {  	s5 =	smul.u32 $0x204, s5;
	s29 =	sadd.s32 s0, s26;
	s0 =	sand.u32 $0x78, s7  }
0x6c: {  	s4 =	smul.u32 $0x204, s4;
	s1 =	sand.u32 $0x3F80, s30;
	s2 =	sxor.u32 $0x40, s0  }
0x6d: {  	p0 =	sne.s32 s24, $0x1;
	s3 =	sand.u32 $0x7F, s30;
	s2 =	smul.u32 $0x204, s2;
	v1 =	vld.idx.msk [tilespmem:v0+s1+$0x40 ss:$0x1], $0xffff  }
0x6e: {  	s7 =	simm.s32 $0x50;
	s8 =	sshrl.u32 s8, $0x2;
	s0 =	smul.u32 $0x204, s0;
	v2 =	vld.idx.msk [tilespmem:v0+s1+$0x0 ss:$0x1], $0xffff  }
0x6f: {  	s5 =	sshrl.u32 s5, $0x2;
	s7 =	sand.u32 $0x78, s7;
	s2 =	sshrl.u32 s2, $0x2;
	v3 =	vld.idx.msk [tilespmem:v0+s1+$0x10 ss:$0x1], $0xffff  }
0x70: {  	s7 =	smul.u32 $0x204, s7;
	s0 =	sshrl.u32 s0, $0x2;
	s2 =	sadd.s32 s2, s29;
	v4 =	vld.idx.msk [tilespmem:v0+s1+$0x20 ss:$0x1], $0xffff  }
.Ltmp4:
0x71: {  	s0 =	sadd.s32 s0, s29;
	s2 =	sadd.s32 s3, s2;
	(pc) =	sbr.rel @!p0 .LBB1_7-.Ltmp4, $4  }
0x72: {  	s4 =	sshrl.u32 s4, $0x2;
	s8 =	sadd.s32 s8, s29;
	s0 =	sadd.s32 s3, s0;
	[tilespmem:s2+$0x0 ss:$0x81] =	vst.msk $0xffff, v1;
	v1 =	vld.idx.msk [tilespmem:v0+s1+$0x30 ss:$0x1], $0xffff  }
0x73: {  	s5 =	sadd.s32 s5, s29;
	s6 =	sshrl.u32 s7, $0x2;
	[tilespmem:s0+$0x0 ss:$0x81] =	vst.msk $0xffff, v2;
	s2 =	sadd.s32 s3, s8;
	v2 =	vld.idx.msk [tilespmem:v0+s1+$0x50 ss:$0x1], $0xffff  }
0x74: {  	s4 =	sadd.s32 s4, s29;
	s7 =	sadd.s32 s3, s5;
	[tilespmem:s2+$0x0 ss:$0x81] =	vst.msk $0xffff, v3;
	s2 =	sadd.s32 s6, s29  }
0x75: {  	s8 =	sadd.s32 s3, s4;
	[tilespmem:s7+$0x0 ss:$0x81] =	vst.msk $0xffff, v4;
	s0 =	simm.s32 $0x2808;
	s1 =	sadd.s32 s3, s2  }
.LBB1_6:
0x76: {  	s2 =	sadd.s32 $0xFFFFD800, s0;
	s3 =	sadd.s32 $0xFFFFE000, s0  }
0x77: {  	[tilespmem:s8+$0x0 ss:$0x81] =	vst.msk $0xffff, v1;
	s4 =	smov.u32 s31;
	s31 =	sadd.s32 $0x1, s31;
	s30 =	sadd.s32 $0x80, s30  }
0x78: {  	s5 =	sadd.s32 $0xFFFFE800, s0;
	s2 =	sshrl.u32 s2, $0x7;
	p0 =	sne.s32 s24, s31;
	[tilespmem:s1+$0x0 ss:$0x81] =	vst.msk $0xffff, v2  }
0x79: {  	s7 =	sadd.s32 $0xFFFFF000, s0;
	s1 =	sand.u32 $0x3F80, s30;
	s2 =	sand.u32 $0x78, s2  }
0x7a: {  	s6 =	sshrl.u32 s0, $0x7;
	s3 =	sshrl.u32 s3, $0x7;
	v3 =	vld.idx.msk [tilespmem:v0+s1+$0x40 ss:$0x1], $0xffff;
	s8 =	sxor.u32 $0x40, s2  }
0x7b: {  	s5 =	sshrl.u32 s5, $0x7;
	s7 =	sshrl.u32 s7, $0x7;
	v4 =	vld.idx.msk [tilespmem:v0+s1+$0x0 ss:$0x1], $0xffff;
	s8 =	smul.u32 $0x204, s8  }
0x7c: {  	s6 =	sand.u32 $0x78, s6;
	s3 =	sand.u32 $0x78, s3;
	s5 =	sand.u32 $0x78, s5;
	v5 =	vld.idx.msk [tilespmem:v0+s1+$0x10 ss:$0x1], $0xffff  }
0x7d: {  	s7 =	sand.u32 $0x78, s7;
	s6 =	smul.u32 $0x204, s6;
	v6 =	vld.idx.msk [tilespmem:v0+s1+$0x20 ss:$0x1], $0xffff;
	s8 =	sshrl.u32 s8, $0x2  }
0x7e: {  	s4 =	sand.u32 $0x7F, s4;
	s2 =	smul.u32 $0x204, s2;
	v1 =	vld.idx.msk [tilespmem:v0+s1+$0x30 ss:$0x1], $0xffff;
	s8 =	sadd.s32 s8, s29  }
0x7f: {  	s3 =	smul.u32 $0x204, s3;
	s8 =	sadd.s32 s4, s8;
	v2 =	vld.idx.msk [tilespmem:v0+s1+$0x50 ss:$0x1], $0xffff  }
0x80: {  	s1 =	sshrl.u32 s2, $0x2;
	s2 =	smul.u32 $0x204, s5;
	[tilespmem:s8+$0x0 ss:$0x81] =	vst.msk $0xffff, v3  }
0x81: {  	s3 =	sshrl.u32 s3, $0x2;
	s5 =	smul.u32 $0x204, s7;
	s1 =	sadd.s32 s1, s29  }
.Ltmp5:
0x82: {  	s3 =	sadd.s32 s3, s29;
	s2 =	sshrl.u32 s2, $0x2;
	(pc) =	sbr.rel @p0 .LBB1_6-.Ltmp5, $4  }
0x83: {  	s1 =	sadd.s32 s4, s1;
	s5 =	sshrl.u32 s5, $0x2;
	s2 =	sadd.s32 s2, s29  }
0x84: {  	[tilespmem:s1+$0x0 ss:$0x81] =	vst.msk $0xffff, v4;
	s1 =	sadd.s32 s4, s3;
	s3 =	sadd.s32 s5, s29;
	s5 =	sshrl.u32 s6, $0x2  }
0x85: {  	[tilespmem:s1+$0x0 ss:$0x81] =	vst.msk $0xffff, v5;
	s1 =	sadd.s32 s4, s2;
	s8 =	sadd.s32 s4, s3;
	s2 =	sadd.s32 s5, s29  }
0x86: {  	s0 =	sadd.s32 $0x8, s0;
	[tilespmem:s1+$0x0 ss:$0x81] =	vst.msk $0xffff, v6;
	s1 =	sadd.s32 s4, s2  }
.LBB1_7:
0x87: {  	s28 =	sadd.s32 $0x1, s28  }
0x88: {  	p0 =	sne.s32 s28, s23  }
.Ltmp6:
0x89: {  	_ = 	snop;
	(pc) =	sbr.rel @p0 .LBB1_5-.Ltmp6, $3  }
0x8a: {  	_ =	sdelay $0x1  }
0x8b: {  	[tilespmem:s8+$0x0 ss:$0x81] =	vst.msk $0xffff, v1  }
0x8c: {  	[tilespmem:s1+$0x0 ss:$0x81] =	vst.msk $0xffff, v2  }
0x8d: {  	s27 =	sadd.s32 $0x1, s27  }
0x8e: {  	p0 =	sne.s32 s27, s22  }
.Ltmp7:
0x8f: {  	_ = 	snop;
	(pc) =	sbr.rel @p0 .LBB1_4-.Ltmp7, $4  }
.Ltmp8:
0x90: {  	_ = 	snop;
	(pc) =	sbr.rel @!p0 .LBB1_9-.Ltmp8, $4  }
0x91: {  	_ = 	snop  }
0x92: {  	_ = 	snop  }
0x93: {  	_ = 	snop  }
0x94: {  	_ = 	snop  }
.LBB1_11:
0x95: {  	_ =	sfence.sel $0x180000  }
0x96: {  	s0 =	simm.s32 $0x1;
	[bflag:$0x0] =	sbarrier.arrive $0xFFFF  }
0x97: {  	s31 =	simm.s32 $0x2;
	[sflag:s0] =	ssyncpa.u1 $0x1  }
0x98: {  	[sflag:s31] =	ssyncpa.u1 $0x1  }
0x99: {  	_ =	strace $0x90000047  }
0x9a: {  	[bflag:$0x2] =	sbarrier.arrive $0xFFFF  }
0x9b: {  	p0 =	sne.s32 s7, $0x0;
	s0 =	rddreg [dreg:$0x2]  }
0x9c: {  	s0 =	sadd.s32 @!p0 $0x100000, s0  }
0x9d: {  	[sflag:s0] =	ssyncadd.tile.s32 @!p0 $0x1;
	_ =	shalt  }
.Lfunc_end1:
_tile_overlayer_lowered:
.L_overlay_start_2:
0x9e: {  	(tag) =	ssettag $0x2  }
0x9f: {  	s0 =	rddreg [dreg:$0x0];
	s2 =	stileid.u32  }
0xa0: {  	s1 =	rddreg [dreg:$0x1];
	p0 =	sne.s32 s2, $0x0  }
0xa1: {  	s3 =	rddreg [dreg:$0x2];
	[bflag:$0x3] =	sbarrier.arrive $0xFFFF;
	s2 =	simm.s32 @!p0 $0x1C01  }
0xa2: {  	[timem:s3], [sflag:s2] =	dma.local @!p0 [hbm:s0], s1  }
0xa3: {  	s0 =	simm.s32 @!p0 $0x1  }
0xa4: {  	_ =	swait.ge @!p0 [sflag:s0], s1  }
0xa5: {  	s1 =	ssub.s32 @!p0 $0x0, s1;
	[sflag:s0] =	ssyncset.done @!p0 $0x0  }
0xa6: {  	[sflag:s0] =	ssyncadd.s32 @!p0 s1  }
0xa7: {  	[bflag:$0x3] =	sbarrier.arrive $0xFFFF  }
0xa8: {  	_ =	shalt  }

</sc_bundles>
